<compile_context>
chip_gen: v7x
topology: tpu7x:2x2x1
jax: 0.10.2.dev20260603
libtpu: 0.0.44.dev20260713+nightly
codegen_flags: <defaults>
</compile_context>

<pallas_src>
import functools

import jax
import jax.numpy as jnp
from jax import lax
from jax.experimental import pallas as pl
from jax.experimental.pallas import tpu as pltpu
from jax.experimental.pallas import tpu_sc as plsc

NUM_SAMPLED = 255
S_PAD = 256
_CHUNK = 128


def _sampled_consts(V):
    logv1 = jnp.log(jnp.float32(V) + 1.0)
    skey = jax.random.fold_in(jax.random.key(0), 12345)
    u = jax.random.uniform(skey, (NUM_SAMPLED,), dtype=jnp.float32)
    s = jnp.floor(jnp.exp(u * logv1)) - 1.0
    sampled = jnp.clip(s, 0, V - 1).astype(jnp.int32)
    cs = sampled.astype(jnp.float32)
    p_samp = (jnp.log(cs + 2.0) - jnp.log(cs + 1.0)) / logv1
    nlse = -jnp.log(-jnp.expm1(NUM_SAMPLED * jnp.log1p(-p_samp)))
    sampled_pad = jnp.concatenate([sampled, jnp.zeros((1,), jnp.int32)])
    nlse_pad = jnp.concatenate([nlse, jnp.full((1,), -1e30, jnp.float32)])
    cmp_pad = jnp.concatenate([sampled, jnp.full((1,), -1, jnp.int32)])
    return sampled_pad, nlse_pad, cmp_pad


@functools.lru_cache(maxsize=None)
def _make_sc_gather(R, B, S):
    info = plsc.get_sparse_core_info()
    NC, NS = info.num_cores, info.num_subcores
    NW = NC * NS
    n_chunks = (B + S) // _CHUNK
    n_extra = n_chunks - NW
    assert 0 <= n_extra <= NW

    mesh = plsc.VectorSubcoreMesh(core_axis_name="c", subcore_axis_name="s")

    @functools.partial(
        pl.kernel,
        mesh=mesh,
        out_type=jax.ShapeDtypeStruct((B + S, _CHUNK), jnp.float32),
        scratch_types=[
            pltpu.VMEM((_CHUNK,), jnp.int32),
            pltpu.VMEM((_CHUNK, _CHUNK), jnp.float32),
            pltpu.SemaphoreType.DMA,
        ],
        compiler_params=pltpu.CompilerParams(use_tc_tiling_on_sc=True),
    )
    def gather(table_hbm, sup_hbm, out_hbm, idx_v, rows_v, sem):
        wid = lax.axis_index("s") * NC + lax.axis_index("c")

        def do_chunk(c):
            base = pl.multiple_of(c * _CHUNK, _CHUNK)
            pltpu.sync_copy(sup_hbm.at[pl.ds(base, _CHUNK)], idx_v)
            pltpu.async_copy(table_hbm.at[idx_v], rows_v, sem).wait()
            pltpu.sync_copy(rows_v, out_hbm.at[pl.ds(base, _CHUNK), :])

        do_chunk(wid)
        if n_extra:
            @pl.when(wid < n_extra)
            def _():
                do_chunk(NW + wid)

    return gather


def _dense_body(logv1_ref, idx_ref, grp_ref, u_ref, trow_ref, srow_ref,
                sgrp_ref, cmp_ref, nlse_ref, out_ref):
    BB, D = u_ref.shape

    trow = trow_ref[...]
    grp = grp_ref[...]
    sel = jnp.zeros((BB, D), jnp.float32)
    srow = srow_ref[...]
    sgrp = sgrp_ref[...]
    sw = jnp.zeros((S_PAD, D), jnp.float32)
    for g in range(128 // D):
        sel = sel + trow[:, g * D:(g + 1) * D] * (grp == g).astype(jnp.float32)
        sw = sw + srow[:, g * D:(g + 1) * D] * (sgrp == g).astype(jnp.float32)

    logv1 = logv1_ref[0]
    u = u_ref[...]
    c = idx_ref[...].astype(jnp.float32)
    p_true = (jnp.log(c + 2.0) - jnp.log(c + 1.0)) / logv1
    q = NUM_SAMPLED * jnp.log1p(-p_true)
    lte_small = jnp.log(-q) + jnp.log1p(
        q * (0.5 + q * (1.0 / 6.0 + q * (1.0 / 24.0))))
    lte_big = jnp.log(1.0 - jnp.exp(q))
    lte = jnp.where(q > -0.1, lte_small, lte_big)
    tl = jnp.sum(u * sel, axis=1, keepdims=True) - lte

    slt = lax.dot_general(
        u, sw, (((1,), (1,)), ((), ())),
        preferred_element_type=jnp.float32,
    )
    slt = slt + nlse_ref[...]
    acc = (cmp_ref[...] == idx_ref[...]).astype(jnp.float32)
    slt = slt - acc * 1e9

    m = jnp.maximum(jnp.max(slt, axis=1, keepdims=True), tl)
    z = jnp.sum(jnp.exp(slt - m), axis=1, keepdims=True) + jnp.exp(tl - m)
    out_ref[...] = jnp.log(z) + m - tl


def _dense(logv1, idxc, grpc, user, gat, sgrp, cmps, nlses, *, interpret=False):
    B, D = user.shape
    BB = 512
    grid = (B // BB,)
    s_block = B // S_PAD
    return pl.pallas_call(
        _dense_body,
        grid=grid,
        in_specs=[
            pl.BlockSpec(memory_space=pltpu.SMEM),
            pl.BlockSpec((BB, 1), lambda i: (i, 0)),
            pl.BlockSpec((BB, 1), lambda i: (i, 0)),
            pl.BlockSpec((BB, D), lambda i: (i, 0)),
            pl.BlockSpec((BB, 128), lambda i: (i, 0)),
            pl.BlockSpec((S_PAD, 128), lambda i: (s_block, 0)),
            pl.BlockSpec((S_PAD, 1), lambda i: (0, 0)),
            pl.BlockSpec((1, S_PAD), lambda i: (0, 0)),
            pl.BlockSpec((1, S_PAD), lambda i: (0, 0)),
        ],
        out_specs=pl.BlockSpec((BB, 1), lambda i: (i, 0)),
        out_shape=jax.ShapeDtypeStruct((B, 1), jnp.float32),
        interpret=interpret,
    )(logv1, idxc, grpc, user, gat, gat, sgrp, cmps, nlses)


def kernel(item_embeddings, user_vec, item_idx, zero_bias):
    V, D = item_embeddings.shape
    B = user_vec.shape[0]
    GPS = 128 // D
    idx = item_idx.reshape(-1).astype(jnp.int32)

    logv1 = jnp.log(jnp.float32(V) + 1.0)
    sampled_pad, nlse_pad, cmp_pad = _sampled_consts(V)

    sup = jnp.concatenate([idx, sampled_pad]) // GPS

    gat = _make_sc_gather(V // GPS, B, S_PAD)(
        item_embeddings.reshape(V // GPS, D * GPS), sup
    )

    loss = _dense(
        logv1.reshape(1),
        idx.reshape(B, 1),
        (idx % GPS).reshape(B, 1),
        user_vec,
        gat,
        (sampled_pad % GPS).reshape(S_PAD, 1),
        cmp_pad.reshape(1, S_PAD),
        nlse_pad.reshape(1, S_PAD),
    )
    return loss

# --- scband reference (transcript-rebuilt; emitter-appended) ---
"""Pipeline reference for scband-sampled-softmax-layer-79018808312542 (READ-ONLY COPY).

The authoritative reference and input builder live on the scoring server;
editing this copy changes nothing except your own understanding.
"""

import jax, jax.numpy as jnp
import numpy as np

VOCAB = 1000000
BATCH = 4096
DIM = 32
NUM_SAMPLED = 255
TEMPERATURE = 1.0


def setup_inputs(seed: int = 0) -> dict:
    key = jax.random.key(seed)
    k1, k2, k3 = jax.random.split(key, 3)
    item_embeddings = jax.random.normal(k1, (VOCAB, DIM), dtype=jnp.float32)
    user_vec = jax.random.normal(k2, (BATCH, DIM), dtype=jnp.float32)
    item_idx = jax.random.randint(k3, (BATCH, 1), 0, VOCAB).astype(jnp.int64)
    zero_bias = jnp.zeros((VOCAB,), dtype=jnp.float32)
    return {"item_embeddings": item_embeddings, "user_vec": user_vec, "item_idx": item_idx, "zero_bias": zero_bias}


def _log_uniform_prob(ids, vocab):
    c = ids.astype(jnp.float32)
    return (jnp.log(c + 2.0) - jnp.log(c + 1.0)) / jnp.log(float(vocab) + 1.0)


def _sample_log_uniform(key, num_sampled, vocab):
    u = jax.random.uniform(key, (num_sampled,), dtype=jnp.float32)
    s = jnp.floor(jnp.exp(u * jnp.log(float(vocab) + 1.0))) - 1.0
    return jnp.clip(s, 0, vocab - 1).astype(jnp.int64)


def reference(item_embeddings, user_vec, item_idx, zero_bias):
    vocab = item_embeddings.shape[0]
    item_idx = item_idx.astype(jnp.int64)
    uv = user_vec / TEMPERATURE
    # log-uniform candidate sampler (as in tf.nn.sampled_softmax_loss default)
    skey = jax.random.fold_in(jax.random.key(0), 12345)
    sampled = _sample_log_uniform(skey, NUM_SAMPLED, vocab)
    p_true = _log_uniform_prob(item_idx[:, 0], vocab)
    p_samp = _log_uniform_prob(sampled, vocab)
    true_expected = -jnp.expm1(NUM_SAMPLED * jnp.log1p(-p_true))
    samp_expected = -jnp.expm1(NUM_SAMPLED * jnp.log1p(-p_samp))
    # true logits: gather label rows from the big table
    true_w = jnp.take(item_embeddings, item_idx[:, 0], axis=0)
    true_b = jnp.take(zero_bias, item_idx[:, 0])
    true_logits = jnp.sum(uv * true_w, axis=1) + true_b - jnp.log(true_expected)
    # sampled logits
    samp_w = jnp.take(item_embeddings, sampled, axis=0)
    samp_b = jnp.take(zero_bias, sampled)
    sampled_logits = uv @ samp_w.T + samp_b[None, :] - jnp.log(samp_expected)[None, :]
    # remove accidental hits (default remove_accidental_hits=True)
    acc = (sampled[None, :] == item_idx[:, 0:1]).astype(jnp.float32)
    sampled_logits = sampled_logits - acc * 1e9
    logits = jnp.concatenate([true_logits[:, None], sampled_logits], axis=1)
    # softmax cross entropy with true class at position 0
    loss = jax.nn.logsumexp(logits, axis=1) - logits[:, 0]
    return loss[:, None]

if __name__ == "__main__":
    import jax
    _d = setup_inputs()
    print(jax.jit(kernel)(*tuple(_d.values())))

</pallas_src>

<mosaic_0001>
#map = affine_map<(d0, d1) -> (0, 0)>
#map1 = affine_map<(d0, d1) -> (0)>
module attributes {stable_mosaic.version = 14 : i64} {
  func.func @gather(%arg0: i32, %arg1: i32, %arg2: memref<250000x128xf32, #tpu.memory_space<hbm>>, %arg3: memref<4352xi32, #tpu.memory_space<hbm>>, %arg4: memref<4352x128xf32, #tpu.memory_space<hbm>>, %arg5: memref<128xi32, #tpu.memory_space<vmem>>, %arg6: memref<128x128xf32, #tpu.memory_space<vmem>>, %arg7: memref<!tpu.dma_semaphore, #tpu.memory_space<semaphore_mem>>) attributes {dimension_semantics = [#tpu.dimension_semantics<core_parallel>, #tpu.dimension_semantics<subcore_parallel>], iteration_bounds = array<i64: 2, 16>, scalar_prefetch = 0 : i64, scratch_operands = 3 : i64, tpu.core_type = #tpu.core_type<sc_vector_subcore>, window_params = [{transform_indices = #map}, {transform_indices = #map1}, {transform_indices = #map}]} {
    %mul3A = arith.constant 2 : i32
    %mul3A_0 = arith.muli %arg1, %mul3A : i32
    %add3A = arith.addi %mul3A_0, %arg0 : i32
    %mul3A_1 = arith.constant 128 : i32
    %mul3A_2 = arith.muli %add3A, %mul3A_1 : i32
    %multiple_of3A = tpu.assume_multiple %mul3A_2, 128 : i32
    "tpu.region"() ({
      %run_scoped3A = tpu.sem_alloc : memref<!tpu.dma_semaphore, #tpu.memory_space<semaphore_mem>>
      %dma_start3A_9 = tpu.memref_slice %arg3[%multiple_of3A] : memref<4352xi32, #tpu.memory_space<hbm>> -> memref<128xi32, #tpu.memory_space<hbm>>
      %dma_start3A_10 = tpu.memref_slice %arg3[%multiple_of3A] : memref<4352xi32, #tpu.memory_space<hbm>> -> memref<128xi32, #tpu.memory_space<hbm>>
      tpu.enqueue_dma source(%dma_start3A_10 : memref<128xi32, #tpu.memory_space<hbm>>) target(%arg5 : memref<128xi32, #tpu.memory_space<vmem>>) target_semaphore(%run_scoped3A : memref<!tpu.dma_semaphore, #tpu.memory_space<semaphore_mem>>)
      %dma_wait3A_11 = tpu.memref_slice %arg3[%multiple_of3A] : memref<4352xi32, #tpu.memory_space<hbm>> -> memref<128xi32, #tpu.memory_space<hbm>>
      %dma_wait3A_12 = tpu.memref_slice %arg3[%multiple_of3A] : memref<4352xi32, #tpu.memory_space<hbm>> -> memref<128xi32, #tpu.memory_space<hbm>>
      tpu.wait_dma2 semaphore(%run_scoped3A : memref<!tpu.dma_semaphore, #tpu.memory_space<semaphore_mem>>) src(%dma_wait3A_12 : memref<128xi32, #tpu.memory_space<hbm>>) dst(%arg5 : memref<128xi32, #tpu.memory_space<vmem>>)
      tpu.yield
    }) : () -> ()
    %dma_start3A = arith.constant 0 : i32
    %dma_start3A_3 = arith.constant 0 : i32
    %dma_start3A_4 = tpu.memref_slice %arg2[%dma_start3A, %dma_start3A_3] : memref<250000x128xf32, #tpu.memory_space<hbm>> -> memref<250000x128xf32, #tpu.memory_space<hbm>>
    tpu.enqueue_indirect_dma source(%dma_start3A_4 : memref<250000x128xf32, #tpu.memory_space<hbm>>) target(%arg6 : memref<128x128xf32, #tpu.memory_space<vmem>>) offsets(%arg5 : memref<128xi32, #tpu.memory_space<vmem>>) semaphore(%arg7 : memref<!tpu.dma_semaphore, #tpu.memory_space<semaphore_mem>>)
    %dma_wait3A = arith.constant 0 : i32
    %dma_wait3A_5 = arith.constant 0 : i32
    %dma_wait3A_6 = tpu.memref_slice %arg2[%dma_wait3A, %dma_wait3A_5] : memref<250000x128xf32, #tpu.memory_space<hbm>> -> memref<250000x128xf32, #tpu.memory_space<hbm>>
    tpu.wait_indirect_dma semaphore(%arg7 : memref<!tpu.dma_semaphore, #tpu.memory_space<semaphore_mem>>) src(%dma_wait3A_6 : memref<250000x128xf32, #tpu.memory_space<hbm>>) dst(%arg6 : memref<128x128xf32, #tpu.memory_space<vmem>>)
    "tpu.region"() ({
      %run_scoped3A = tpu.sem_alloc : memref<!tpu.dma_semaphore, #tpu.memory_space<semaphore_mem>>
      %dma_start3A_9 = arith.constant 0 : i32
      %dma_start3A_10 = tpu.memref_slice %arg4[%multiple_of3A, %dma_start3A_9] : memref<4352x128xf32, #tpu.memory_space<hbm>> -> memref<128x128xf32, #tpu.memory_space<hbm>>
      %dma_start3A_11 = arith.constant 0 : i32
      %dma_start3A_12 = tpu.memref_slice %arg4[%multiple_of3A, %dma_start3A_11] : memref<4352x128xf32, #tpu.memory_space<hbm>> -> memref<128x128xf32, #tpu.memory_space<hbm>>
      tpu.enqueue_dma source(%arg6 : memref<128x128xf32, #tpu.memory_space<vmem>>) target(%dma_start3A_12 : memref<128x128xf32, #tpu.memory_space<hbm>>) target_semaphore(%run_scoped3A : memref<!tpu.dma_semaphore, #tpu.memory_space<semaphore_mem>>)
      %dma_wait3A_13 = arith.constant 0 : i32
      %dma_wait3A_14 = tpu.memref_slice %arg4[%multiple_of3A, %dma_wait3A_13] : memref<4352x128xf32, #tpu.memory_space<hbm>> -> memref<128x128xf32, #tpu.memory_space<hbm>>
      %dma_wait3A_15 = arith.constant 0 : i32
      %dma_wait3A_16 = tpu.memref_slice %arg4[%multiple_of3A, %dma_wait3A_15] : memref<4352x128xf32, #tpu.memory_space<hbm>> -> memref<128x128xf32, #tpu.memory_space<hbm>>
      tpu.wait_dma2 semaphore(%run_scoped3A : memref<!tpu.dma_semaphore, #tpu.memory_space<semaphore_mem>>) src(%arg6 : memref<128x128xf32, #tpu.memory_space<vmem>>) dst(%dma_wait3A_16 : memref<128x128xf32, #tpu.memory_space<hbm>>)
      tpu.yield
    }) : () -> ()
    %lt3A = arith.constant 2 : i32
    %lt3A_7 = arith.cmpi slt, %add3A, %lt3A : i32
    %convert_element_type3A = arith.extui %lt3A_7 : i1 to i32
    %cond3A = arith.constant 0 : i32
    %cond3A_8 = arith.cmpi ne, %convert_element_type3A, %cond3A : i32
    scf.if %cond3A_8 {
      %add3A_9 = arith.constant 32 : i32
      %add3A_10 = arith.addi %add3A_9, %add3A : i32
      %mul3A_11 = arith.constant 128 : i32
      %mul3A_12 = arith.muli %add3A_10, %mul3A_11 : i32
      %multiple_of3A_13 = tpu.assume_multiple %mul3A_12, 128 : i32
      "tpu.region"() ({
        %run_scoped3A = tpu.sem_alloc : memref<!tpu.dma_semaphore, #tpu.memory_space<semaphore_mem>>
        %dma_start3A_20 = tpu.memref_slice %arg3[%multiple_of3A_13] : memref<4352xi32, #tpu.memory_space<hbm>> -> memref<128xi32, #tpu.memory_space<hbm>>
        %dma_start3A_21 = tpu.memref_slice %arg3[%multiple_of3A_13] : memref<4352xi32, #tpu.memory_space<hbm>> -> memref<128xi32, #tpu.memory_space<hbm>>
        tpu.enqueue_dma source(%dma_start3A_21 : memref<128xi32, #tpu.memory_space<hbm>>) target(%arg5 : memref<128xi32, #tpu.memory_space<vmem>>) target_semaphore(%run_scoped3A : memref<!tpu.dma_semaphore, #tpu.memory_space<semaphore_mem>>)
        %dma_wait3A_22 = tpu.memref_slice %arg3[%multiple_of3A_13] : memref<4352xi32, #tpu.memory_space<hbm>> -> memref<128xi32, #tpu.memory_space<hbm>>
        %dma_wait3A_23 = tpu.memref_slice %arg3[%multiple_of3A_13] : memref<4352xi32, #tpu.memory_space<hbm>> -> memref<128xi32, #tpu.memory_space<hbm>>
        tpu.wait_dma2 semaphore(%run_scoped3A : memref<!tpu.dma_semaphore, #tpu.memory_space<semaphore_mem>>) src(%dma_wait3A_23 : memref<128xi32, #tpu.memory_space<hbm>>) dst(%arg5 : memref<128xi32, #tpu.memory_space<vmem>>)
        tpu.yield
      }) : () -> ()
      %dma_start3A_14 = arith.constant 0 : i32
      %dma_start3A_15 = arith.constant 0 : i32
      %dma_start3A_16 = tpu.memref_slice %arg2[%dma_start3A_14, %dma_start3A_15] : memref<250000x128xf32, #tpu.memory_space<hbm>> -> memref<250000x128xf32, #tpu.memory_space<hbm>>
      tpu.enqueue_indirect_dma source(%dma_start3A_16 : memref<250000x128xf32, #tpu.memory_space<hbm>>) target(%arg6 : memref<128x128xf32, #tpu.memory_space<vmem>>) offsets(%arg5 : memref<128xi32, #tpu.memory_space<vmem>>) semaphore(%arg7 : memref<!tpu.dma_semaphore, #tpu.memory_space<semaphore_mem>>)
      %dma_wait3A_17 = arith.constant 0 : i32
      %dma_wait3A_18 = arith.constant 0 : i32
      %dma_wait3A_19 = tpu.memref_slice %arg2[%dma_wait3A_17, %dma_wait3A_18] : memref<250000x128xf32, #tpu.memory_space<hbm>> -> memref<250000x128xf32, #tpu.memory_space<hbm>>
      tpu.wait_indirect_dma semaphore(%arg7 : memref<!tpu.dma_semaphore, #tpu.memory_space<semaphore_mem>>) src(%dma_wait3A_19 : memref<250000x128xf32, #tpu.memory_space<hbm>>) dst(%arg6 : memref<128x128xf32, #tpu.memory_space<vmem>>)
      "tpu.region"() ({
        %run_scoped3A = tpu.sem_alloc : memref<!tpu.dma_semaphore, #tpu.memory_space<semaphore_mem>>
        %dma_start3A_20 = arith.constant 0 : i32
        %dma_start3A_21 = tpu.memref_slice %arg4[%multiple_of3A_13, %dma_start3A_20] : memref<4352x128xf32, #tpu.memory_space<hbm>> -> memref<128x128xf32, #tpu.memory_space<hbm>>
        %dma_start3A_22 = arith.constant 0 : i32
        %dma_start3A_23 = tpu.memref_slice %arg4[%multiple_of3A_13, %dma_start3A_22] : memref<4352x128xf32, #tpu.memory_space<hbm>> -> memref<128x128xf32, #tpu.memory_space<hbm>>
        tpu.enqueue_dma source(%arg6 : memref<128x128xf32, #tpu.memory_space<vmem>>) target(%dma_start3A_23 : memref<128x128xf32, #tpu.memory_space<hbm>>) target_semaphore(%run_scoped3A : memref<!tpu.dma_semaphore, #tpu.memory_space<semaphore_mem>>)
        %dma_wait3A_24 = arith.constant 0 : i32
        %dma_wait3A_25 = tpu.memref_slice %arg4[%multiple_of3A_13, %dma_wait3A_24] : memref<4352x128xf32, #tpu.memory_space<hbm>> -> memref<128x128xf32, #tpu.memory_space<hbm>>
        %dma_wait3A_26 = arith.constant 0 : i32
        %dma_wait3A_27 = tpu.memref_slice %arg4[%multiple_of3A_13, %dma_wait3A_26] : memref<4352x128xf32, #tpu.memory_space<hbm>> -> memref<128x128xf32, #tpu.memory_space<hbm>>
        tpu.wait_dma2 semaphore(%run_scoped3A : memref<!tpu.dma_semaphore, #tpu.memory_space<semaphore_mem>>) src(%arg6 : memref<128x128xf32, #tpu.memory_space<vmem>>) dst(%dma_wait3A_27 : memref<128x128xf32, #tpu.memory_space<hbm>>)
        tpu.yield
      }) : () -> ()
    } else {
    }
    return
  }
}

module attributes {stable_mosaic.version = 14 : i64} {
  func.func @_dense_body(%arg0: i32, %arg1: memref<1xf32, #tpu.memory_space<smem>>, %arg2: memref<512x1xi32, #tpu.memory_space<vmem>>, %arg3: memref<512x1xi32, #tpu.memory_space<vmem>>, %arg4: memref<512x32xf32, #tpu.memory_space<vmem>>, %arg5: memref<512x128xf32, #tpu.memory_space<vmem>>, %arg6: memref<256x128xf32, #tpu.memory_space<vmem>>, %arg7: memref<256x1xi32, #tpu.memory_space<vmem>>, %arg8: memref<1x256xi32, #tpu.memory_space<vmem>>, %arg9: memref<1x256xf32, #tpu.memory_space<vmem>>, %arg10: memref<512x1xf32, #tpu.memory_space<vmem>>) attributes {dimension_semantics = [#tpu.dimension_semantics<arbitrary>], iteration_bounds = array<i64: 8>, scalar_prefetch = 0 : i64, scratch_operands = 0 : i64, tpu.core_type = #tpu.core_type<tc>, window_params = [{transform_indices = @transform_0, window_bounds = array<i64: 1>}, {transform_indices = @transform_1, window_bounds = array<i64: 512, 1>}, {transform_indices = @transform_2, window_bounds = array<i64: 512, 1>}, {transform_indices = @transform_3, window_bounds = array<i64: 512, 32>}, {transform_indices = @transform_4, window_bounds = array<i64: 512, 128>}, {transform_indices = @transform_5, window_bounds = array<i64: 256, 128>}, {pipeline_mode = #tpu.pipeline_mode<synchronous>, transform_indices = @transform_6, window_bounds = array<i64: 256, 1>}, {pipeline_mode = #tpu.pipeline_mode<synchronous>, transform_indices = @transform_7, window_bounds = array<i64: 1, 256>}, {pipeline_mode = #tpu.pipeline_mode<synchronous>, transform_indices = @transform_8, window_bounds = array<i64: 1, 256>}, {transform_indices = @transform_9, window_bounds = array<i64: 512, 1>}]} {
    %get3A = arith.constant 0 : index
    %get3A_0 = arith.constant 0 : index
    %get3A_1 = vector.load %arg5[%get3A, %get3A_0] : memref<512x128xf32, #tpu.memory_space<vmem>>, vector<512x128xf32>
    %get3A_2 = arith.constant 0 : index
    %get3A_3 = arith.constant 0 : index
    %get3A_4 = vector.load %arg3[%get3A_2, %get3A_3] : memref<512x1xi32, #tpu.memory_space<vmem>>, vector<512x1xi32>
    %broadcast_in_dim3A = arith.constant 0.000000e+00 : f32
    %broadcast_in_dim3A_5 = vector.broadcast %broadcast_in_dim3A : f32 to vector<512x32xf32>
    %get3A_6 = arith.constant 0 : index
    %get3A_7 = arith.constant 0 : index
    %get3A_8 = vector.load %arg6[%get3A_6, %get3A_7] : memref<256x128xf32, #tpu.memory_space<vmem>>, vector<256x128xf32>
    %get3A_9 = arith.constant 0 : index
    %get3A_10 = arith.constant 0 : index
    %get3A_11 = vector.load %arg7[%get3A_9, %get3A_10] : memref<256x1xi32, #tpu.memory_space<vmem>>, vector<256x1xi32>
    %broadcast_in_dim3A_12 = arith.constant 0.000000e+00 : f32
    %broadcast_in_dim3A_13 = vector.broadcast %broadcast_in_dim3A_12 : f32 to vector<256x32xf32>
    %slice3A = vector.extract_strided_slice %get3A_1 {offsets = [0, 0], sizes = [512, 32], strides = [1, 1]} : vector<512x128xf32> to vector<512x32xf32>
    %eq3A = arith.constant 0 : i32
    %eq3A_14 = vector.broadcast %eq3A : i32 to vector<512x1xi32>
    %eq3A_15 = arith.cmpi eq, %get3A_4, %eq3A_14 : vector<512x1xi32>
    %convert_element_type3A = arith.extui %eq3A_15 : vector<512x1xi1> to vector<512x1xi32>
    %convert_element_type3A_16 = arith.sitofp %convert_element_type3A : vector<512x1xi32> to vector<512x1xf32>
    %mul3A = vector.broadcast %convert_element_type3A_16 : vector<512x1xf32> to vector<512x32xf32>
    %mul3A_17 = arith.mulf %slice3A, %mul3A : vector<512x32xf32>
    %add3A = arith.addf %broadcast_in_dim3A_5, %mul3A_17 : vector<512x32xf32>
    %slice3A_18 = vector.extract_strided_slice %get3A_8 {offsets = [0, 0], sizes = [256, 32], strides = [1, 1]} : vector<256x128xf32> to vector<256x32xf32>
    %eq3A_19 = arith.constant 0 : i32
    %eq3A_20 = vector.broadcast %eq3A_19 : i32 to vector<256x1xi32>
    %eq3A_21 = arith.cmpi eq, %get3A_11, %eq3A_20 : vector<256x1xi32>
    %convert_element_type3A_22 = arith.extui %eq3A_21 : vector<256x1xi1> to vector<256x1xi32>
    %convert_element_type3A_23 = arith.sitofp %convert_element_type3A_22 : vector<256x1xi32> to vector<256x1xf32>
    %mul3A_24 = vector.broadcast %convert_element_type3A_23 : vector<256x1xf32> to vector<256x32xf32>
    %mul3A_25 = arith.mulf %slice3A_18, %mul3A_24 : vector<256x32xf32>
    %add3A_26 = arith.addf %broadcast_in_dim3A_13, %mul3A_25 : vector<256x32xf32>
    %slice3A_27 = vector.extract_strided_slice %get3A_1 {offsets = [0, 32], sizes = [512, 32], strides = [1, 1]} : vector<512x128xf32> to vector<512x32xf32>
    %eq3A_28 = arith.constant 1 : i32
    %eq3A_29 = vector.broadcast %eq3A_28 : i32 to vector<512x1xi32>
    %eq3A_30 = arith.cmpi eq, %get3A_4, %eq3A_29 : vector<512x1xi32>
    %convert_element_type3A_31 = arith.extui %eq3A_30 : vector<512x1xi1> to vector<512x1xi32>
    %convert_element_type3A_32 = arith.sitofp %convert_element_type3A_31 : vector<512x1xi32> to vector<512x1xf32>
    %mul3A_33 = vector.broadcast %convert_element_type3A_32 : vector<512x1xf32> to vector<512x32xf32>
    %mul3A_34 = arith.mulf %slice3A_27, %mul3A_33 : vector<512x32xf32>
    %add3A_35 = arith.addf %add3A, %mul3A_34 : vector<512x32xf32>
    %slice3A_36 = vector.extract_strided_slice %get3A_8 {offsets = [0, 32], sizes = [256, 32], strides = [1, 1]} : vector<256x128xf32> to vector<256x32xf32>
    %eq3A_37 = arith.constant 1 : i32
    %eq3A_38 = vector.broadcast %eq3A_37 : i32 to vector<256x1xi32>
    %eq3A_39 = arith.cmpi eq, %get3A_11, %eq3A_38 : vector<256x1xi32>
    %convert_element_type3A_40 = arith.extui %eq3A_39 : vector<256x1xi1> to vector<256x1xi32>
    %convert_element_type3A_41 = arith.sitofp %convert_element_type3A_40 : vector<256x1xi32> to vector<256x1xf32>
    %mul3A_42 = vector.broadcast %convert_element_type3A_41 : vector<256x1xf32> to vector<256x32xf32>
    %mul3A_43 = arith.mulf %slice3A_36, %mul3A_42 : vector<256x32xf32>
    %add3A_44 = arith.addf %add3A_26, %mul3A_43 : vector<256x32xf32>
    %slice3A_45 = vector.extract_strided_slice %get3A_1 {offsets = [0, 64], sizes = [512, 32], strides = [1, 1]} : vector<512x128xf32> to vector<512x32xf32>
    %eq3A_46 = arith.constant 2 : i32
    %eq3A_47 = vector.broadcast %eq3A_46 : i32 to vector<512x1xi32>
    %eq3A_48 = arith.cmpi eq, %get3A_4, %eq3A_47 : vector<512x1xi32>
    %convert_element_type3A_49 = arith.extui %eq3A_48 : vector<512x1xi1> to vector<512x1xi32>
    %convert_element_type3A_50 = arith.sitofp %convert_element_type3A_49 : vector<512x1xi32> to vector<512x1xf32>
    %mul3A_51 = vector.broadcast %convert_element_type3A_50 : vector<512x1xf32> to vector<512x32xf32>
    %mul3A_52 = arith.mulf %slice3A_45, %mul3A_51 : vector<512x32xf32>
    %add3A_53 = arith.addf %add3A_35, %mul3A_52 : vector<512x32xf32>
    %slice3A_54 = vector.extract_strided_slice %get3A_8 {offsets = [0, 64], sizes = [256, 32], strides = [1, 1]} : vector<256x128xf32> to vector<256x32xf32>
    %eq3A_55 = arith.constant 2 : i32
    %eq3A_56 = vector.broadcast %eq3A_55 : i32 to vector<256x1xi32>
    %eq3A_57 = arith.cmpi eq, %get3A_11, %eq3A_56 : vector<256x1xi32>
    %convert_element_type3A_58 = arith.extui %eq3A_57 : vector<256x1xi1> to vector<256x1xi32>
    %convert_element_type3A_59 = arith.sitofp %convert_element_type3A_58 : vector<256x1xi32> to vector<256x1xf32>
    %mul3A_60 = vector.broadcast %convert_element_type3A_59 : vector<256x1xf32> to vector<256x32xf32>
    %mul3A_61 = arith.mulf %slice3A_54, %mul3A_60 : vector<256x32xf32>
    %add3A_62 = arith.addf %add3A_44, %mul3A_61 : vector<256x32xf32>
    %slice3A_63 = vector.extract_strided_slice %get3A_1 {offsets = [0, 96], sizes = [512, 32], strides = [1, 1]} : vector<512x128xf32> to vector<512x32xf32>
    %eq3A_64 = arith.constant 3 : i32
    %eq3A_65 = vector.broadcast %eq3A_64 : i32 to vector<512x1xi32>
    %eq3A_66 = arith.cmpi eq, %get3A_4, %eq3A_65 : vector<512x1xi32>
    %convert_element_type3A_67 = arith.extui %eq3A_66 : vector<512x1xi1> to vector<512x1xi32>
    %convert_element_type3A_68 = arith.sitofp %convert_element_type3A_67 : vector<512x1xi32> to vector<512x1xf32>
    %mul3A_69 = vector.broadcast %convert_element_type3A_68 : vector<512x1xf32> to vector<512x32xf32>
    %mul3A_70 = arith.mulf %slice3A_63, %mul3A_69 : vector<512x32xf32>
    %add3A_71 = arith.addf %add3A_53, %mul3A_70 : vector<512x32xf32>
    %slice3A_72 = vector.extract_strided_slice %get3A_8 {offsets = [0, 96], sizes = [256, 32], strides = [1, 1]} : vector<256x128xf32> to vector<256x32xf32>
    %eq3A_73 = arith.constant 3 : i32
    %eq3A_74 = vector.broadcast %eq3A_73 : i32 to vector<256x1xi32>
    %eq3A_75 = arith.cmpi eq, %get3A_11, %eq3A_74 : vector<256x1xi32>
    %convert_element_type3A_76 = arith.extui %eq3A_75 : vector<256x1xi1> to vector<256x1xi32>
    %convert_element_type3A_77 = arith.sitofp %convert_element_type3A_76 : vector<256x1xi32> to vector<256x1xf32>
    %mul3A_78 = vector.broadcast %convert_element_type3A_77 : vector<256x1xf32> to vector<256x32xf32>
    %mul3A_79 = arith.mulf %slice3A_72, %mul3A_78 : vector<256x32xf32>
    %add3A_80 = arith.addf %add3A_62, %mul3A_79 : vector<256x32xf32>
    %get3A_81 = arith.constant 0 : index
    %get3A_82 = memref.load %arg1[%get3A_81] : memref<1xf32, #tpu.memory_space<smem>>
    %get3A_83 = arith.constant 0 : index
    %get3A_84 = arith.constant 0 : index
    %get3A_85 = vector.load %arg4[%get3A_83, %get3A_84] : memref<512x32xf32, #tpu.memory_space<vmem>>, vector<512x32xf32>
    %get3A_86 = arith.constant 0 : index
    %get3A_87 = arith.constant 0 : index
    %get3A_88 = vector.load %arg2[%get3A_86, %get3A_87] : memref<512x1xi32, #tpu.memory_space<vmem>>, vector<512x1xi32>
    %convert_element_type3A_89 = arith.sitofp %get3A_88 : vector<512x1xi32> to vector<512x1xf32>
    %add3A_90 = arith.constant 2.000000e+00 : f32
    %add3A_91 = vector.broadcast %add3A_90 : f32 to vector<512x1xf32>
    %add3A_92 = arith.addf %convert_element_type3A_89, %add3A_91 : vector<512x1xf32>
    %log3A = math.log %add3A_92 : vector<512x1xf32>
    %add3A_93 = arith.constant 1.000000e+00 : f32
    %add3A_94 = vector.broadcast %add3A_93 : f32 to vector<512x1xf32>
    %add3A_95 = arith.addf %convert_element_type3A_89, %add3A_94 : vector<512x1xf32>
    %log3A_96 = math.log %add3A_95 : vector<512x1xf32>
    %sub3A = arith.subf %log3A, %log3A_96 : vector<512x1xf32>
    %div3A = vector.broadcast %get3A_82 : f32 to vector<512x1xf32>
    %div3A_97 = arith.divf %sub3A, %div3A : vector<512x1xf32>
    %neg3A = arith.constant 0.000000e+00 : f32
    %neg3A_98 = vector.broadcast %neg3A : f32 to vector<512x1xf32>
    %neg3A_99 = arith.subf %neg3A_98, %div3A_97 : vector<512x1xf32>
    %log1p3A = math.log1p %neg3A_99 : vector<512x1xf32>
    %mul3A_100 = arith.constant 2.550000e+02 : f32
    %mul3A_101 = vector.broadcast %mul3A_100 : f32 to vector<512x1xf32>
    %mul3A_102 = arith.mulf %mul3A_101, %log1p3A : vector<512x1xf32>
    %neg3A_103 = arith.constant 0.000000e+00 : f32
    %neg3A_104 = vector.broadcast %neg3A_103 : f32 to vector<512x1xf32>
    %neg3A_105 = arith.subf %neg3A_104, %mul3A_102 : vector<512x1xf32>
    %log3A_106 = math.log %neg3A_105 : vector<512x1xf32>
    %mul3A_107 = arith.constant 0.0416666679 : f32
    %mul3A_108 = vector.broadcast %mul3A_107 : f32 to vector<512x1xf32>
    %mul3A_109 = arith.mulf %mul3A_102, %mul3A_108 : vector<512x1xf32>
    %add3A_110 = arith.constant 0.166666672 : f32
    %add3A_111 = vector.broadcast %add3A_110 : f32 to vector<512x1xf32>
    %add3A_112 = arith.addf %add3A_111, %mul3A_109 : vector<512x1xf32>
    %mul3A_113 = arith.mulf %mul3A_102, %add3A_112 : vector<512x1xf32>
    %add3A_114 = arith.constant 5.000000e-01 : f32
    %add3A_115 = vector.broadcast %add3A_114 : f32 to vector<512x1xf32>
    %add3A_116 = arith.addf %add3A_115, %mul3A_113 : vector<512x1xf32>
    %mul3A_117 = arith.mulf %mul3A_102, %add3A_116 : vector<512x1xf32>
    %log1p3A_118 = math.log1p %mul3A_117 : vector<512x1xf32>
    %add3A_119 = arith.addf %log3A_106, %log1p3A_118 : vector<512x1xf32>
    %exp3A = math.exp %mul3A_102 : vector<512x1xf32>
    %sub3A_120 = arith.constant 1.000000e+00 : f32
    %sub3A_121 = vector.broadcast %sub3A_120 : f32 to vector<512x1xf32>
    %sub3A_122 = arith.subf %sub3A_121, %exp3A : vector<512x1xf32>
    %log3A_123 = math.log %sub3A_122 : vector<512x1xf32>
    %gt3A = arith.constant -1.000000e-01 : f32
    %gt3A_124 = vector.broadcast %gt3A : f32 to vector<512x1xf32>
    %gt3A_125 = arith.cmpf ogt, %mul3A_102, %gt3A_124 : vector<512x1xf32>
    %select_n3A = arith.select %gt3A_125, %add3A_119, %log3A_123 : vector<512x1xi1>, vector<512x1xf32>
    %mul3A_126 = arith.mulf %get3A_85, %add3A_71 : vector<512x32xf32>
    %reduce_sum3A = arith.constant dense<0.000000e+00> : vector<512xf32>
    %reduce_sum3A_127 = vector.multi_reduction <add>, %mul3A_126, %reduce_sum3A [1] : vector<512x32xf32> to vector<512xf32>
    %broadcast_in_dim3A_128 = vector.shape_cast %reduce_sum3A_127 : vector<512xf32> to vector<512x1xf32>
    %sub3A_129 = arith.subf %broadcast_in_dim3A_128, %select_n3A : vector<512x1xf32>
    %dot_general3A = arith.constant dense<0.000000e+00> : vector<512x256xf32>
    %dot_general3A_130 = tpu.matmul %get3A_85, %add3A_80, %dot_general3A {dimension_numbers = #tpu.dot_dimension_numbers<[1], [1], [0], [0], [0, 0, 1, 0], [], []>, transpose_lhs_hint = false} : vector<512x32xf32>, vector<256x32xf32>, vector<512x256xf32> -> vector<512x256xf32>
    %get3A_131 = arith.constant 0 : index
    %get3A_132 = arith.constant 0 : index
    %get3A_133 = vector.load %arg9[%get3A_131, %get3A_132] : memref<1x256xf32, #tpu.memory_space<vmem>>, vector<1x256xf32>
    %add3A_134 = vector.broadcast %get3A_133 : vector<1x256xf32> to vector<512x256xf32>
    %add3A_135 = arith.addf %dot_general3A_130, %add3A_134 : vector<512x256xf32>
    %get3A_136 = arith.constant 0 : index
    %get3A_137 = arith.constant 0 : index
    %get3A_138 = vector.load %arg8[%get3A_136, %get3A_137] : memref<1x256xi32, #tpu.memory_space<vmem>>, vector<1x256xi32>
    %get3A_139 = arith.constant 0 : index
    %get3A_140 = arith.constant 0 : index
    %get3A_141 = vector.load %arg2[%get3A_139, %get3A_140] : memref<512x1xi32, #tpu.memory_space<vmem>>, vector<512x1xi32>
    %eq3A_142 = vector.broadcast %get3A_138 : vector<1x256xi32> to vector<512x256xi32>
    %eq3A_143 = vector.broadcast %get3A_141 : vector<512x1xi32> to vector<512x256xi32>
    %eq3A_144 = arith.cmpi eq, %eq3A_142, %eq3A_143 : vector<512x256xi32>
    %convert_element_type3A_145 = arith.extui %eq3A_144 : vector<512x256xi1> to vector<512x256xi32>
    %convert_element_type3A_146 = arith.sitofp %convert_element_type3A_145 : vector<512x256xi32> to vector<512x256xf32>
    %mul3A_147 = arith.constant 1.000000e+09 : f32
    %mul3A_148 = vector.broadcast %mul3A_147 : f32 to vector<512x256xf32>
    %mul3A_149 = arith.mulf %convert_element_type3A_146, %mul3A_148 : vector<512x256xf32>
    %sub3A_150 = arith.subf %add3A_135, %mul3A_149 : vector<512x256xf32>
    %reduce_max3A = arith.constant dense<0xFF800000> : vector<512xf32>
    %reduce_max3A_151 = vector.multi_reduction <maximumf>, %sub3A_150, %reduce_max3A [1] : vector<512x256xf32> to vector<512xf32>
    %broadcast_in_dim3A_152 = vector.shape_cast %reduce_max3A_151 : vector<512xf32> to vector<512x1xf32>
    %max3A = arith.maximumf %broadcast_in_dim3A_152, %sub3A_129 : vector<512x1xf32>
    %sub3A_153 = vector.broadcast %max3A : vector<512x1xf32> to vector<512x256xf32>
    %sub3A_154 = arith.subf %sub3A_150, %sub3A_153 : vector<512x256xf32>
    %exp3A_155 = math.exp %sub3A_154 : vector<512x256xf32>
    %reduce_sum3A_156 = arith.constant dense<0.000000e+00> : vector<512xf32>
    %reduce_sum3A_157 = vector.multi_reduction <add>, %exp3A_155, %reduce_sum3A_156 [1] : vector<512x256xf32> to vector<512xf32>
    %broadcast_in_dim3A_158 = vector.shape_cast %reduce_sum3A_157 : vector<512xf32> to vector<512x1xf32>
    %sub3A_159 = arith.subf %sub3A_129, %max3A : vector<512x1xf32>
    %exp3A_160 = math.exp %sub3A_159 : vector<512x1xf32>
    %add3A_161 = arith.addf %broadcast_in_dim3A_158, %exp3A_160 : vector<512x1xf32>
    %log3A_162 = math.log %add3A_161 : vector<512x1xf32>
    %add3A_163 = arith.addf %log3A_162, %max3A : vector<512x1xf32>
    %sub3A_164 = arith.subf %add3A_163, %sub3A_129 : vector<512x1xf32>
    %swap3A = arith.constant 0 : index
    %swap3A_165 = arith.constant 0 : index
    %swap3A_166 = vector.load %arg10[%swap3A, %swap3A_165] : memref<512x1xf32, #tpu.memory_space<vmem>>, vector<512x1xf32>
    tpu.vector_store %arg10[%swap3A, %swap3A_165], %sub3A_164 {strides = array<i32>} : memref<512x1xf32, #tpu.memory_space<vmem>>, vector<512x1xf32>,
    return
  }
  func.func @transform_0(%arg0: i32) -> i32 {
    %c0_i32 = arith.constant 0 : i32
    %c0_i32_0 = arith.constant 0 : i32
    return %c0_i32 : i32
  }
  func.func @transform_1(%arg0: i32) -> (i32, i32) {
    %c0_i32 = arith.constant 0 : i32
    %c0_i32_0 = arith.constant 0 : i32
    return %arg0, %c0_i32 : i32, i32
  }
  func.func @transform_2(%arg0: i32) -> (i32, i32) {
    %c0_i32 = arith.constant 0 : i32
    %c0_i32_0 = arith.constant 0 : i32
    return %arg0, %c0_i32 : i32, i32
  }
  func.func @transform_3(%arg0: i32) -> (i32, i32) {
    %c0_i32 = arith.constant 0 : i32
    %c0_i32_0 = arith.constant 0 : i32
    return %arg0, %c0_i32 : i32, i32
  }
  func.func @transform_4(%arg0: i32) -> (i32, i32) {
    %c0_i32 = arith.constant 0 : i32
    %c0_i32_0 = arith.constant 0 : i32
    return %arg0, %c0_i32 : i32, i32
  }
  func.func @transform_5(%arg0: i32) -> (i32, i32) {
    %c16_i32 = arith.constant 16 : i32
    %c0_i32 = arith.constant 0 : i32
    %c0_i32_0 = arith.constant 0 : i32
    return %c16_i32, %c0_i32 : i32, i32
  }
  func.func @transform_6(%arg0: i32) -> (i32, i32) {
    %c0_i32 = arith.constant 0 : i32
    %c0_i32_0 = arith.constant 0 : i32
    %c0_i32_1 = arith.constant 0 : i32
    return %c0_i32, %c0_i32_0 : i32, i32
  }
  func.func @transform_7(%arg0: i32) -> (i32, i32) {
    %c0_i32 = arith.constant 0 : i32
    %c0_i32_0 = arith.constant 0 : i32
    %c0_i32_1 = arith.constant 0 : i32
    return %c0_i32, %c0_i32_0 : i32, i32
  }
  func.func @transform_8(%arg0: i32) -> (i32, i32) {
    %c0_i32 = arith.constant 0 : i32
    %c0_i32_0 = arith.constant 0 : i32
    %c0_i32_1 = arith.constant 0 : i32
    return %c0_i32, %c0_i32_0 : i32, i32
  }
  func.func @transform_9(%arg0: i32) -> (i32, i32) {
    %c0_i32 = arith.constant 0 : i32
    %c0_i32_0 = arith.constant 0 : i32
    return %arg0, %c0_i32 : i32, i32
  }
}

</mosaic_0001>

<sc_bundles>
// kernel: kernel.4.cloned.1.call-start
scs
__scs_entry_jumppad:
0x0: {  	(pc) =	sbr.rel $0x88, $3  }
0x1: {  	(tag) =	ssettag $0x0;
	lr =	simm.s32 $0x1  }
0x2: {  	[smem:$0x3F9E] =	sst lr;
	_ =	strace $0xD0000000  }
0x3: {  	_ = 	snop  }
0x4: {  	_ = 	snop  }
0x5: {  	_ = 	snop  }
0x6: {  	_ = 	snop  }
0x7: {  	_ = 	snop  }
__scs_overlays_trampoline_lowered:
0x8: {  	[smem:$0x3FAD] =	sst s0  }
0x9: {  	[smem:$0x3FAE] =	sst s1  }
0xa: {  	[smem:$0x3FAF] =	sst s2  }
0xb: {  	[smem:$0x3FB0] =	sst s3  }
0xc: {  	[smem:$0x3FB1] =	sst s4  }
0xd: {  	[smem:$0x3FB2] =	sst s5  }
0xe: {  	[smem:$0x3FB3] =	sst s6  }
0xf: {  	[smem:$0x3FB4] =	sst s7  }
0x10: {  	[smem:$0x3FB5] =	sst s8  }
0x11: {  	[smem:$0x3FB6] =	sst s9;
	s0 =	simm.s32 @!p0 $0x0  }
0x12: {  	s1 =	sld [smem:$0x3F9C];
	s0 =	simm.s32 @p0 $0x1  }
0x13: {  	[smem:$0x3FB7] =	sst s0;
	s0 =	simm.s32 @!p1 $0x0  }
0x14: {  	s2 =	sld [smem:$0x3F9B];
	s0 =	simm.s32 @p1 $0x1  }
0x15: {  	[smem:$0x3FB8] =	sst s0;
	s0 =	simm.s32 @!p2 $0x0  }
0x16: {  	s3 =	sld [smem:$0x3FDB];
	s0 =	simm.s32 @p2 $0x1  }
0x17: {  	s4 =	simm.s32 $0x1BF5;
	[smem:$0x3FBA] =	sst s0  }
0x18: {  	s0 =	sld [smem:$0x3F9D];
	_ =	swait.ge [sflag:s4], $0x0  }
0x19: {  	s7 =	sld [smem:$0x3F9E]  }
0x1a: {  	s8 =	sadd.s32 $0xFFFFE003, lr  }
0x1b: {  	s9 =	sadd.s32 $0xFFFFFEF7, lr;
	s5 =	simm.s32 $0xFFFFFFFF;
	p2 =	slt.u32 s8, $0xFFFFF086  }
0x1c: {  	p1 =	slt.u32 s9, $0xF7A;
	s5 =	simm.s32 @!p2 $0x0  }
0x1d: {  	s5 =	simm.s32 @p1 $0x1;
	p0 =	seq.s32 s7, s2  }
0x1e: {  	s7 =	smul.u32 @!p0 $0xF7A, s2;
	p2 =	seq.s32 @!p0 s5, $0x0  }
0x1f: {  	s9 =	smul.u32 $0xF7A, s1;
	s8 =	simm.s32 @!p0 $0x1BF5;
	p2 =	por !p2, p0  }
0x20: {  	[sflag:s8] =	ssyncset.s32 @!p0 $0xFFFFF086;
	s6 =	sadd.s32 @!p0 s3, s7;
	s7 =	simm.s32 @!p0 $0x108  }
0x21: {  	s3 =	sadd.s32 s3, s9;
	s6 =	sadd.s32 @!p0 $0x88, s6;
	s7 =	simm.s32 @p2 $0x1082  }
0x22: {  	[simem:s7], [sflag:s8] =	dma.local @!p0 [hbm:s6], $0xF7A  }
0x23: {  	s9 =	sor.u32 $0xD0000000, s2;
	s6 =	simm.s32 $0x108;
	_ =	swait.ge @!p0 [sflag:s8], $0x0  }
0x24: {  	s3 =	sadd.s32 $0x88, s3;
	s6 =	simm.s32 @!p1 $0x1082;
	[sflag:s4] =	ssyncset.s32 $0xFFFFF086  }
0x25: {  	[simem:s6], [sflag:s4] =	dma.local [hbm:s3], $0xF7A  }
0x26: {  	[smem:$0x3F9E] =	sst s1;
	(tag) =	ssettag s2;
	_ =	strace s9  }
0x27: {  	s1 =	sld [smem:$0x3FAE]  }
0x28: {  	s2 =	sld [smem:$0x3FAF]  }
0x29: {  	s4 =	sld [smem:$0x3FB1]  }
0x2a: {  	p0 =	seq.s32 s5, $0x0;
	s5 =	sld [smem:$0x3FB2]  }
0x2b: {  	s6 =	sld [smem:$0x3FB3]  }
0x2c: {  	s7 =	sld [smem:$0x3FB4]  }
0x2d: {  	s3 =	simm.s32 $0x108;
	s8 =	sld [smem:$0x3FB5]  }
0x2e: {  	s3 =	simm.s32 @!p0 $0x1082;
	s9 =	sld [smem:$0x3FB6]  }
0x2f: {  	lr =	sadd.s32 s0, s3;
	s0 =	sld [smem:$0x3FAD]  }
0x30: {  	s3 =	sld [smem:$0x3FB0]  }
0x31: {  	[smem:$0x3FB9] =	sst s10  }
0x32: {  	s10 =	sld [smem:$0x3FB7];
	_ =	sdelay $0x3  }
0x33: {  	p0 =	seq.s32 s10, $0x1;
	s10 =	sld [smem:$0x3FB9];
	_ =	sdelay $0x3  }
0x34: {  	[smem:$0x3FB9] =	sst s10  }
0x35: {  	s10 =	sld [smem:$0x3FB8];
	_ =	sdelay $0x3  }
0x36: {  	p1 =	seq.s32 s10, $0x1;
	s10 =	sld [smem:$0x3FB9];
	_ =	sdelay $0x3  }
0x37: {  	[smem:$0x3FB9] =	sst s10  }
0x38: {  	s10 =	sld [smem:$0x3FBA]  }
0x39: {  	_ = 	snop;
	(pc) =	sbr.ind lr, $3  }
0x3a: {  	_ = 	snop  }
0x3b: {  	_ = 	snop  }
0x3c: {  	p2 =	seq.s32 s10, $0x1;
	s10 =	sld [smem:$0x3FB9]  }
0x3d: {  	_ =	shalt  }
0x3e: {  	_ =	shalt  }
0x3f: {  	_ =	shalt  }
0x40: {  	_ =	shalt  }
0x41: {  	_ =	shalt  }
0x42: {  	_ =	shalt  }
0x43: {  	_ =	shalt  }
0x44: {  	_ =	shalt  }
0x45: {  	_ =	shalt  }
0x46: {  	_ =	shalt  }
0x47: {  	_ =	shalt  }
0x48: {  	_ =	shalt  }
0x49: {  	_ =	shalt  }
0x4a: {  	_ =	shalt  }
0x4b: {  	_ =	shalt  }
0x4c: {  	_ =	shalt  }
0x4d: {  	_ =	shalt  }
0x4e: {  	_ =	shalt  }
0x4f: {  	_ =	shalt  }
0x50: {  	_ =	shalt  }
0x51: {  	_ =	shalt  }
0x52: {  	_ =	shalt  }
0x53: {  	_ =	shalt  }
0x54: {  	_ =	shalt  }
0x55: {  	_ =	shalt  }
0x56: {  	_ =	shalt  }
0x57: {  	_ =	shalt  }
0x58: {  	_ =	shalt  }
0x59: {  	_ =	shalt  }
0x5a: {  	_ =	shalt  }
0x5b: {  	_ =	shalt  }
0x5c: {  	_ =	shalt  }
0x5d: {  	_ =	shalt  }
0x5e: {  	_ =	shalt  }
0x5f: {  	_ =	shalt  }
0x60: {  	_ =	shalt  }
0x61: {  	_ =	shalt  }
0x62: {  	_ =	shalt  }
0x63: {  	_ =	shalt  }
0x64: {  	_ =	shalt  }
0x65: {  	_ =	shalt  }
0x66: {  	_ =	shalt  }
0x67: {  	_ =	shalt  }
0x68: {  	_ =	shalt  }
0x69: {  	_ =	shalt  }
0x6a: {  	_ =	shalt  }
0x6b: {  	_ =	shalt  }
0x6c: {  	_ =	shalt  }
0x6d: {  	_ =	shalt  }
0x6e: {  	_ =	shalt  }
0x6f: {  	_ =	shalt  }
0x70: {  	_ =	shalt  }
0x71: {  	_ =	shalt  }
0x72: {  	_ =	shalt  }
0x73: {  	_ =	shalt  }
0x74: {  	_ =	shalt  }
0x75: {  	_ =	shalt  }
0x76: {  	_ =	shalt  }
0x77: {  	_ =	shalt  }
0x78: {  	_ =	shalt  }
0x79: {  	_ =	shalt  }
0x7a: {  	_ =	shalt  }
0x7b: {  	_ =	shalt  }
0x7c: {  	_ =	shalt  }
0x7d: {  	_ =	shalt  }
0x7e: {  	_ =	shalt  }
0x7f: {  	_ =	shalt  }
0x80: {  	_ =	shalt  }
0x81: {  	_ =	shalt  }
0x82: {  	_ =	shalt  }
0x83: {  	_ =	shalt  }
0x84: {  	_ =	shalt  }
0x85: {  	_ =	shalt  }
0x86: {  	_ =	shalt  }
0x87: {  	_ =	shalt  }
.Lfunc_end0:
.L_simem_size_0:
called_computation_lowered:
.L_overlay_start_0:
0x88: {  	s2 =	sld [smem:$0x3FD9]  }
0x89: {  	s3 =	sld [smem:$0x3FFE];
	_ =	sdelay $0x1  }
0x8a: {  	s1 =	srdreg.scid  }
0x8b: {  	s0 =	sand.u32 $0x1, s1  }
0x8c: {  	s16 =	sshll.u32 s0, $0xA;
	s2 =	sadd.s32 s3, s2  }
0x8d: {  	s2 =	sadd.s32 s2, s16  }
0x8e: {  	[smem:$0x3FC5] =	sst s2  }
0x8f: {  	_ = 	snop  }
0x90: {  	(tm) =	ssettm $0x1  }
0x91: {  	s17 =	sld [smem:$0x3FFB];
	_ =	sdelay $0x3  }
0x92: {  	_ =	strace s17  }
0x93: {  	s2 =	sld [smem:$0x3FFC];
	_ =	sdelay $0x3  }
0x94: {  	_ =	strace s2  }
0x95: {  	s2 =	sld [smem:$0x3FFD];
	_ =	sdelay $0x3  }
0x96: {  	_ =	strace s2  }
0x97: {  	_ =	strace $0x8FFFFFFF  }
0x98: {  	s18 =	sld [smem:$0x3FDB];
	_ =	sdelay $0x1  }
0x99: {  	s19 =	simm.s32 $_scs_section_size  }
0x9a: {  	s4 =	simm.s32 $_size__tile_overlayer_lowered;
	s5 =	simm.s32 $_tile_overlayer_lowered  }
0x9b: {  	s22 =	simm.s32 $0x1BFF;
	s21 =	sshll.u32 s5, $0x1;
	s2 =	sadd.s32 s19, s18  }
0x9c: {  	s6 =	simm.s32 $0x0;
	s20 =	sshll.u32 s4, $0x1;
	s4 =	sadd.s32 s21, s2  }
0x9d: {  	[timem:s6], [sflag:s22] =	dma.local [hbm:s4], s20  }
0x9e: {  	_ =	swait.ge [sflag:s22], s20  }
0x9f: {  	s3 =	ssub.s32 $0x0, s20;
	[sflag:s22] =	ssyncset.done $0x0  }
0xa0: {  	[sflag:s22] =	ssyncadd.s32 s3;
	_ =	sdelay $0x1  }
0xa1: {  	s23 =	simm.s32 $0x1B8B  }
0xa2: {  	_ =	swait.ge [sflag:s23], $0x1  }
0xa3: {  	[sflag:s23] =	ssyncset.done $0x0  }
0xa4: {  	s25 =	simm.s32 $0x1B8E;
	s24 =	sld [smem:$0x3FFE];
	[sflag:s23] =	ssyncadd.s32 $0xFFFFFFFF  }
0xa5: {  	s26 =	simm.s32 $execute0_lowered;
	[smem:$0x3FD2] =	sst s25  }
0xa6: {  	s4 =	sshll.u32 s26, $0x1;
	_ =	strace $0x80000046;
	[dreg:$0x1] =	wrdreg $0xFFFFFFFF  }
0xa7: {  	s28 =	simm.s32 $_size_execute0_lowered;
	s2 =	sadd.s32 s2, s4;
	[dreg:$0x0] =	wrdreg $0x0  }
0xa8: {  	s4 =	sshll.u32 s28, $0x1;
	[dreg:$0x2] =	wrdreg s2  }
0xa9: {  	[dreg:$0x3] =	wrdreg s4  }
0xaa: {  	[dreg:$0x4] =	wrdreg $0xC0  }
0xab: {  	_ =	task [dreg:s6], $0x5FFFF  }
0xac: {  	[dreg:$0x1] =	wrdreg $0xFFFFFFFF  }
0xad: {  	[dreg:$0x0] =	wrdreg $0x60  }
0xae: {  	[dreg:$0x2] =	wrdreg s24  }
0xaf: {  	[dreg:$0x3] =	wrdreg $0x9  }
0xb0: {  	_ =	task.clear_ibuf [dreg:s6], $0x4FFFF;
	_ =	strace $0x90000046  }
0xb1: {  	s29 =	simm.s32 $0x9;
	_ =	strace $0x80000048  }
0xb2: {  	_ =	swait.ge [sflag:s29], $0x1  }
0xb3: {  	[sflag:s29] =	ssyncadd.s32 $0xFFFFFFFF  }
0xb4: {  	_ =	strace $0x90000048  }
0xb5: {  	_ =	sfence  }
0xb6: {  	s30 =	sld [smem:$0x0];
	_ =	sdelay $0x2  }
0xb7: {  	s31 =	sshll.u32 s1, $0xD;
	s1 =	sshrl.u32 s1, $0x2  }
0xb8: {  	s3 =	sand.u32 $0x4000, s31;
	s1 =	sadd.s32 s1, s30  }
0xb9: {  	s0 =	sor.u32 s3, s0;
	s1 =	sshll.u32 s1, $0x11  }
0xba: {  	s0 =	sor.u32 s1, s0  }
0xbb: {  	s0 =	sadd.s32 $0x8F2B, s0  }
0xbc: {  	[sflag:s0] =	ssyncadd.remote.s32 $0x1  }
0xbd: {  	_ =	sfence.sel $0xFFFF  }
0xbe: {  	[dreg:$0x0] =	wrdreg $0xFFFFFFFF;
	(pc) =	sbr.abs _section_cstart, $3  }
0xbf: {  	[dreg:$0x1] =	wrdreg $0xFFFFFFFF  }
0xc0: {  	_ =	task.clear_ibuf [dreg:s6], $0x2FFFF;
	_ =	strace $0x9FFFFFFF  }
0xc1: {  	(tm) =	ssettm $0x7FFFFFFF  }
tec
execute0_lowered:
.L_overlay_start_1:
0x0: {  	(tag) =	ssettag $0x1  }
0x1: {  	s0 =	srdreg.scid;
	s9 =	stileid.u32  }
0x2: {  	s7 =	rddreg [dreg:$0x0];
	s11 =	sand.u32 $0x1, s0;
	s2 =	sshll.u32 s9, $0x1  }
0x3: {  	s1 =	simm.s32 $0x0;
	s3 =	simm.s32 $0x2;
	s8 =	sor.u32 s11, s2  }
0x4: {  	[smem:$0x7FF] =	sst s1;
	s10 =	sadd.s32 $0x1000, s7;
	s2 =	sshll.u32 s8, $0x4  }
0x5: {  	s0 =	rddreg [dreg:$0x1];
	_ =	strace $0x80000047;
	s2 =	sadd.s32 s10, s2  }
0x6: {  	[tilespmem:s1], [sflag:$0x2] =	stream.linear.gather [hbm4b:s2+s1], $0x80, $0x38;
	[tilespmem:$0x4080] =	vst v63  }
0x7: {  	_ =	swait.ge [sflag:s3], $0x80  }
0x8: {  	s5 =	simm.s32 $0x80;
	s6 =	simm.s32 $0x1;
	[sflag:s3] =	ssyncset.done $0x0  }
0x9: {  	s4 =	sadd.s32 $0xF43800, s7;
	s13 =	sadd.s32 $0x1400, s7;
	[sflag:s3] =	ssyncadd.s32 $0xFFFFFF80  }
0xa: {  	[tilespmem:s5], [sflag:$0x1] =	stream.indirect.gather [hbm4b:s4+s5], $0x80, s1, s5, $0xb8;
	[tilespmem:$0x4080] =	vst v63  }
0xb: {  	p0 =	sne.s32 s9, $0x0;
	s31 =	sshll.u32 s11, $0x7;
	_ =	swait.ge [sflag:s6], $0x4000  }
0xc: {  	s9 =	simm.s32 @!p0 $0x2;
	s30 =	sshll.u32 s8, $0xB;
	[sflag:s6] =	ssyncset.done $0x0  }
0xd: {  	s15 =	ssub.s32 $0x2, s11;
	s7 =	sadd.s32 s13, s30;
	[sflag:s6] =	ssyncadd.s32 $0xFFFFC000  }
0xe: {  	[hbm4b:s7+s1] =	stream.linear.scatter [tilespmem:s5], [sflag:$0x2], $0x4000, $0x38;
	[tilespmem:$0x4080] =	vst v63  }
0xf: {  	s11 =	simm.s32 @!p0 $0x80;
	s14 =	sor.u32 $0x1000, s31;
	_ =	swait.ge [sflag:s3], $0x4000  }
0x10: {  	s16 =	sshrl.u32 s15, $0x1;
	s8 =	sshrl.u32 s14, $0x3;
	[sflag:s3] =	ssyncset.done $0x0  }
0x11: {  	s8 =	sadd.s32 s10, s8;
	s10 =	simm.s32 @!p0 $0x0;
	[sflag:s3] =	ssyncadd.s32 $0xFFFFC000  }
0x12: {  	[tilespmem:s10], [sflag:$0x2] =	stream.linear.gather @!p0 [hbm4b:s8+s10], $0x80, $0x38;
	[tilespmem:$0x4080] =	vst v63  }
0x13: {  	s12 =	simm.s32 @!p0 $0x1;
	s15 =	ssub.s32 s15, s16;
	_ =	swait.ge @!p0 [sflag:s9], $0x80  }
0x14: {  	s14 =	sshll.u32 s14, $0x4;
	s15 =	smax.u32 s15, $0x1;
	[sflag:s9] =	ssyncset.done @!p0 $0x0  }
0x15: {  	s13 =	sadd.s32 s13, s14;
	s14 =	sadd.s32 $0xFFFFFFFF, s15;
	[sflag:s9] =	ssyncadd.s32 @!p0 $0xFFFFFF80  }
0x16: {  	[tilespmem:s11], [sflag:$0x1] =	stream.indirect.gather @!p0 [hbm4b:s4+s11], $0x80, s10, s11, $0xb8;
	[tilespmem:$0x4080] =	vst v63  }
0x17: {  	p1 =	sne.s32 s14, $0x0;
	_ =	swait.ge @!p0 [sflag:s12], $0x4000  }
.Ltmp0:
0x18: {  	[sflag:s12] =	ssyncset.done @!p0 $0x0;
	(pc) =	sbr.rel @!p1 .LBB2_2-.Ltmp0, $4  }
0x19: {  	[sflag:s12] =	ssyncadd.s32 @!p0 $0xFFFFC000  }
0x1a: {  	[hbm4b:s13+s10] =	stream.linear.scatter @!p0 [tilespmem:s11], [sflag:$0x2], $0x4000, $0x38;
	[tilespmem:$0x4080] =	vst v63  }
0x1b: {  	_ =	swait.ge @!p0 [sflag:s9], $0x4000  }
0x1c: {  	[sflag:s9] =	ssyncset.done @!p0 $0x0  }
.LBB2_1:
0x1d: {  	s14 =	sadd.s32 $0xFFFFFFFF, s14;
	[sflag:s9] =	ssyncadd.s32 @!p0 $0xFFFFC000  }
0x1e: {  	[tilespmem:s1], [sflag:$0x2] =	stream.linear.gather [hbm4b:s2+s1], $0x80, $0x38;
	[tilespmem:$0x4080] =	vst v63  }
0x1f: {  	p1 =	sne.s32 s14, $0x0;
	_ =	swait.ge [sflag:s3], $0x80  }
0x20: {  	[sflag:s3] =	ssyncset.done $0x0  }
0x21: {  	[sflag:s3] =	ssyncadd.s32 $0xFFFFFF80  }
0x22: {  	[tilespmem:s5], [sflag:$0x1] =	stream.indirect.gather [hbm4b:s4+s5], $0x80, s1, s5, $0xb8;
	[tilespmem:$0x4080] =	vst v63  }
0x23: {  	_ =	swait.ge [sflag:s6], $0x4000  }
0x24: {  	[sflag:s6] =	ssyncset.done $0x0  }
0x25: {  	[sflag:s6] =	ssyncadd.s32 $0xFFFFC000  }
0x26: {  	[hbm4b:s7+s1] =	stream.linear.scatter [tilespmem:s5], [sflag:$0x2], $0x4000, $0x38;
	[tilespmem:$0x4080] =	vst v63  }
0x27: {  	_ =	swait.ge [sflag:s3], $0x4000  }
0x28: {  	[sflag:s3] =	ssyncset.done $0x0  }
0x29: {  	[sflag:s3] =	ssyncadd.s32 $0xFFFFC000  }
0x2a: {  	[tilespmem:s10], [sflag:$0x2] =	stream.linear.gather @!p0 [hbm4b:s8+s10], $0x80, $0x38;
	[tilespmem:$0x4080] =	vst v63  }
0x2b: {  	_ =	swait.ge @!p0 [sflag:s9], $0x80  }
0x2c: {  	[sflag:s9] =	ssyncset.done @!p0 $0x0  }
0x2d: {  	[sflag:s9] =	ssyncadd.s32 @!p0 $0xFFFFFF80  }
0x2e: {  	[tilespmem:s11], [sflag:$0x1] =	stream.indirect.gather @!p0 [hbm4b:s4+s11], $0x80, s10, s11, $0xb8;
	[tilespmem:$0x4080] =	vst v63  }
0x2f: {  	_ =	swait.ge @!p0 [sflag:s12], $0x4000  }
.Ltmp1:
0x30: {  	[sflag:s12] =	ssyncset.done @!p0 $0x0;
	(pc) =	sbr.rel @p1 .LBB2_1-.Ltmp1, $4  }
0x31: {  	[sflag:s12] =	ssyncadd.s32 @!p0 $0xFFFFC000  }
0x32: {  	[hbm4b:s13+s10] =	stream.linear.scatter @!p0 [tilespmem:s11], [sflag:$0x2], $0x4000, $0x38;
	[tilespmem:$0x4080] =	vst v63  }
0x33: {  	_ =	swait.ge @!p0 [sflag:s9], $0x4000  }
0x34: {  	[sflag:s9] =	ssyncset.done @!p0 $0x0  }
.LBB2_2:
0x35: {  	[sflag:s9] =	ssyncadd.s32 @!p0 $0xFFFFC000  }
0x36: {  	_ =	sfence.sel $0x180000  }
0x37: {  	[bflag:$0x0] =	sbarrier.arrive $0xFFFF  }
0x38: {  	_ =	strace $0x90000047  }
0x39: {  	s0 =	sadd.s32 @!p0 $0x100000, s0;
	[bflag:$0x2] =	sbarrier.arrive $0xFFFF  }
0x3a: {  	[sflag:s0] =	ssyncadd.tile.s32 @!p0 $0x1;
	_ =	shalt  }
.Lfunc_end2:
_tile_overlayer_lowered:
.L_overlay_start_2:
0x3b: {  	(tag) =	ssettag $0x2  }
0x3c: {  	s0 =	rddreg [dreg:$0x0];
	s2 =	stileid.u32  }
0x3d: {  	s1 =	rddreg [dreg:$0x1];
	p0 =	sne.s32 s2, $0x0  }
0x3e: {  	s3 =	rddreg [dreg:$0x2];
	[bflag:$0x3] =	sbarrier.arrive $0xFFFF;
	s2 =	simm.s32 @!p0 $0x1C02  }
0x3f: {  	[timem:s3], [sflag:s2] =	dma.local @!p0 [hbm:s0], s1  }
0x40: {  	s0 =	simm.s32 @!p0 $0x2  }
0x41: {  	_ =	swait.ge @!p0 [sflag:s0], s1  }
0x42: {  	s1 =	ssub.s32 @!p0 $0x0, s1;
	[sflag:s0] =	ssyncset.done @!p0 $0x0  }
0x43: {  	[sflag:s0] =	ssyncadd.s32 @!p0 s1  }
0x44: {  	[bflag:$0x3] =	sbarrier.arrive $0xFFFF  }
0x45: {  	_ =	shalt  }

</sc_bundles>
